<compile_context>
chip_gen: v7x
topology: tpu7x:2x2x1
jax: 0.10.2.dev20260603
libtpu: 0.0.44.dev20260713+nightly
codegen_flags: <defaults>
</compile_context>

<pallas_src>
import functools

import jax
import jax.numpy as jnp
from jax import lax
from jax.experimental import pallas as pl
from jax.experimental.pallas import tpu as pltpu
from jax.experimental.pallas import tpu_sc as plsc

N0, N1, D0, D1, DF, K_CLS = 16384, 4096, 128, 256, 128, 13
KP = 16
BM = 4096
NJC = 256
NCH = N1 // NJC


def _main_body(p0t_ref, p1_ref, x0_ref, w0_ref, b0_ref, wca_ref, bc_ref,
               part_ref, idx_ref):
    p0tb = p0t_ref[...]
    two_p0t = p0tb + p0tb
    r0, r1, r2 = p0tb[0:1, :], p0tb[1:2, :], p0tb[2:3, :]
    p0sq = (r0 * r0 + r2 * r2) + r1 * r1

    def window(w, carry):
        vf, vr, bi, age = carry
        p1c = p1_ref[pl.ds(w * NJC, NJC), :]
        mmt = lax.dot_general(p1c.astype(jnp.bfloat16),
                              two_p0t.astype(jnp.bfloat16),
                              (((1,), (0,)), ((), ())),
                              preferred_element_type=jnp.float32)
        q0, q1, q2 = p1c[:, 0:1], p1c[:, 1:2], p1c[:, 2:3]
        p1sq = (q0 * q0 + q2 * q2) + q1 * q1
        d = (p0sq - mmt) + p1sq
        wv = jnp.min(d, axis=0, keepdims=True)
        jid = lax.broadcasted_iota(jnp.int32, (NJC, BM), 0) + w * NJC
        wi = jnp.min(jnp.where(d == wv, jid, jnp.int32(N1)),
                     axis=0, keepdims=True)
        cmpv = jnp.where(age <= 2, vf, vr)
        upd = wv < cmpv
        wv16 = wv.astype(jnp.bfloat16).astype(jnp.float32)
        return (jnp.where(upd, wv, vf),
                jnp.where(upd, wv16, vr),
                jnp.where(upd, wi, bi),
                jnp.where(upd, jnp.int32(1), age + 1))

    inf0 = jnp.full((1, BM), jnp.inf, jnp.float32)
    bi0 = jnp.zeros((1, BM), jnp.int32)
    age0 = jnp.zeros((1, BM), jnp.int32)
    _, _, bi, _ = lax.fori_loop(0, NCH, window, (inf0, inf0, bi0, age0))
    idx_ref[...] = bi.reshape(BM)

    f0 = lax.dot_general(x0_ref[...], w0_ref[...],
                         (((1,), (0,)), ((), ())),
                         preferred_element_type=jnp.float32)
    f0 = jnp.maximum(f0 + b0_ref[...], 0.0)
    part_ref[...] = lax.dot_general(f0, wca_ref[...],
                                    (((1,), (0,)), ((), ())),
                                    preferred_element_type=jnp.float32) + bc_ref[...]


def _g1_body(x1_ref, w1_ref, b1_ref, wcb_ref, g1_ref):
    f1 = lax.dot_general(x1_ref[...], w1_ref[...], (((1,), (0,)), ((), ())),
                         preferred_element_type=jnp.float32)
    f1 = jnp.maximum(f1 + b1_ref[...], 0.0)
    g1_ref[...] = lax.dot_general(f1, wcb_ref[...], (((1,), (0,)), ((), ())),
                                  preferred_element_type=jnp.float32)


def _sc_gather_add(idx2d, g1, partial):
    nw = 32
    rows_w = N0 // nw
    k = rows_w // 128

    mesh = plsc.VectorSubcoreMesh(core_axis_name="c", subcore_axis_name="s")

    @functools.partial(
        pl.kernel, mesh=mesh,
        out_type=jax.ShapeDtypeStruct((N0, KP), jnp.float32),
        compiler_params=pltpu.CompilerParams(use_tc_tiling_on_sc=False),
        scratch_types=[
            pltpu.VMEM((k, 128), jnp.int32),
            pltpu.VMEM((rows_w, KP), jnp.float32),
            pltpu.VMEM((rows_w, KP), jnp.float32),
            pltpu.SemaphoreType.DMA,
        ],
    )
    def body(idx_hbm, g1_hbm, part_hbm, out_hbm, idx_v, rows_v, part_v, sem):
        wid = lax.axis_index("s") * 2 + lax.axis_index("c")
        base = wid * rows_w
        pltpu.sync_copy(idx_hbm.at[pl.ds(wid * k, k)], idx_v)
        pltpu.sync_copy(part_hbm.at[pl.ds(base, rows_w)], part_v)
        copies = [
            pltpu.async_copy(g1_hbm.at[idx_v.at[j]],
                             rows_v.at[pl.ds(j * 128, 128)], sem)
            for j in range(k)
        ]
        for cp in copies:
            cp.wait()

        def add_row(i, carry):
            rows_v[i, :] = rows_v[i, :] + part_v[i, :]
            return carry

        lax.fori_loop(0, rows_w, add_row, 0)
        pltpu.sync_copy(rows_v, out_hbm.at[pl.ds(base, rows_w)])

    return body(idx2d, g1, partial)


def kernel(p0, x0, p1, x1, W0, b0, W1, b1, Wc, bc):
    f32 = jnp.float32
    p0t = jnp.pad(p0, ((0, 0), (0, 5))).T
    p1p = jnp.pad(p1, ((0, 0), (0, 5)))
    wca = jnp.pad(Wc[:DF], ((0, 0), (0, KP - K_CLS)))
    wcb = jnp.pad(Wc[DF:], ((0, 0), (0, KP - K_CLS)))
    bcp = jnp.pad(bc, (0, KP - K_CLS)).reshape(1, KP)
    b0r = b0.reshape(1, DF)
    b1r = b1.reshape(1, DF)

    nb = N0 // BM
    partial, idx = pl.pallas_call(
        _main_body,
        grid=(nb,),
        in_specs=[
            pl.BlockSpec((8, BM), lambda i: (0, i)),
            pl.BlockSpec((N1, 8), lambda i: (0, 0)),
            pl.BlockSpec((BM, D0), lambda i: (i, 0)),
            pl.BlockSpec((D0, DF), lambda i: (0, 0)),
            pl.BlockSpec((1, DF), lambda i: (0, 0)),
            pl.BlockSpec((DF, KP), lambda i: (0, 0)),
            pl.BlockSpec((1, KP), lambda i: (0, 0)),
        ],
        out_specs=[
            pl.BlockSpec((BM, KP), lambda i: (i, 0)),
            pl.BlockSpec((BM,), lambda i: (i,)),
        ],
        out_shape=[
            jax.ShapeDtypeStruct((N0, KP), f32),
            jax.ShapeDtypeStruct((N0,), jnp.int32),
        ],
        compiler_params=pltpu.CompilerParams(
            dimension_semantics=("parallel",)),
    )(p0t, p1p, x0, W0, b0r, wca, bcp)

    g1 = pl.pallas_call(
        _g1_body,
        grid=(N1 // BM,),
        in_specs=[
            pl.BlockSpec((BM, D1), lambda i: (i, 0)),
            pl.BlockSpec((D1, DF), lambda i: (0, 0)),
            pl.BlockSpec((1, DF), lambda i: (0, 0)),
            pl.BlockSpec((DF, KP), lambda i: (0, 0)),
        ],
        out_specs=pl.BlockSpec((BM, KP), lambda i: (i, 0)),
        out_shape=jax.ShapeDtypeStruct((N1, KP), f32),
        compiler_params=pltpu.CompilerParams(
            dimension_semantics=("parallel",)),
    )(x1, W1, b1r, wcb)

    out16 = _sc_gather_add(idx.reshape(128, 128), g1, partial)
    return out16[:, :K_CLS]

# --- scband reference (transcript-rebuilt; emitter-appended) ---
"""Pipeline reference for scband-multi-head-32298154066764 (READ-ONLY COPY).

The authoritative reference and input builder live on the scoring server;
editing this copy changes nothing except your own understanding.
"""

import jax, jax.numpy as jnp
import numpy as np

N0, N1, D0, D1, DF, K_CLS = 16384, 4096, 128, 256, 128, 13


def setup_inputs(seed: int = 0) -> dict:
    key = jax.random.key(seed)
    ks = jax.random.split(key, 9)
    p0 = jax.random.uniform(ks[0], (N0, 3), dtype=jnp.float32)
    x0 = jax.random.normal(ks[1], (N0, D0), dtype=jnp.float32)
    p1 = jax.random.uniform(ks[2], (N1, 3), dtype=jnp.float32)
    x1 = jax.random.normal(ks[3], (N1, D1), dtype=jnp.float32)
    W0 = jax.random.normal(ks[4], (D0, DF), dtype=jnp.float32) / np.sqrt(D0)
    b0 = jnp.zeros((DF,), dtype=jnp.float32)
    W1 = jax.random.normal(ks[5], (D1, DF), dtype=jnp.float32) / np.sqrt(D1)
    b1 = jnp.zeros((DF,), dtype=jnp.float32)
    Wc = jax.random.normal(ks[6], (2 * DF, K_CLS), dtype=jnp.float32) / np.sqrt(2 * DF)
    bc = jnp.zeros((K_CLS,), dtype=jnp.float32)
    return {"p0": p0, "x0": x0, "p1": p1, "x1": x1, "W0": W0, "b0": b0, "W1": W1, "b1": b1, "Wc": Wc, "bc": bc}


def _nearest_idx(points_from, points_to):
    # For each point in points_to, index of nearest neighbor in points_from (k=1 cKDTree.query)
    d = (jnp.sum(points_to ** 2, axis=1, keepdims=True)
         - 2.0 * points_to @ points_from.T
         + jnp.sum(points_from ** 2, axis=1)[None, :])
    return jnp.argmin(d, axis=1)


def reference(p0, x0, p1, x1, W0, b0, W1, b1, Wc, bc):
    # Per-stage MLP (func(stage, 'f_out'))
    f0 = jax.nn.relu(x0 @ W0 + b0)
    f1 = jax.nn.relu(x1 @ W1 + b1)
    # upsample: stage 0 passes through; stage 1 kNN-interpolated (k=1) to base points p0
    idx = _nearest_idx(p1, p0)          # [N0]
    up1 = jnp.take(f1, idx, axis=0)     # gather; mean over k=1 neighbors is identity
    # combine = concat, then linear classifier
    x = jnp.concatenate([f0, up1], axis=1)
    out = x @ Wc + bc
    return out

if __name__ == "__main__":
    import jax
    _d = setup_inputs()
    print(jax.jit(kernel)(*tuple(_d.values())))

</pallas_src>

<mosaic_0001>
#map = affine_map<(d0, d1) -> (0, 0)>
module attributes {stable_mosaic.version = 14 : i64} {
  func.func @body(%arg0: i32, %arg1: i32, %arg2: memref<128x128xi32, #tpu.memory_space<hbm>>, %arg3: memref<4096x16xf32, #tpu.memory_space<hbm>>, %arg4: memref<16384x16xf32, #tpu.memory_space<hbm>>, %arg5: memref<16384x16xf32, #tpu.memory_space<hbm>>, %arg6: memref<4x128xi32, #tpu.memory_space<vmem>>, %arg7: memref<512x16xf32, #tpu.memory_space<vmem>>, %arg8: memref<512x16xf32, #tpu.memory_space<vmem>>, %arg9: memref<!tpu.dma_semaphore, #tpu.memory_space<semaphore_mem>>) attributes {dimension_semantics = [#tpu.dimension_semantics<core_parallel>, #tpu.dimension_semantics<subcore_parallel>], iteration_bounds = array<i64: 2, 16>, scalar_prefetch = 0 : i64, scratch_operands = 4 : i64, tpu.core_type = #tpu.core_type<sc_vector_subcore>, window_params = [{transform_indices = #map}, {transform_indices = #map}, {transform_indices = #map}, {transform_indices = #map}]} {
    %mul3A = arith.constant 2 : i32
    %mul3A_0 = arith.muli %arg1, %mul3A : i32
    %add3A = arith.addi %mul3A_0, %arg0 : i32
    %mul3A_1 = arith.constant 512 : i32
    %mul3A_2 = arith.muli %add3A, %mul3A_1 : i32
    %mul3A_3 = arith.constant 4 : i32
    %mul3A_4 = arith.muli %add3A, %mul3A_3 : i32
    "tpu.region"() ({
      %run_scoped3A = tpu.sem_alloc : memref<!tpu.dma_semaphore, #tpu.memory_space<semaphore_mem>>
      %dma_start3A_88 = arith.constant 0 : i32
      %dma_start3A_89 = tpu.memref_slice %arg2[%mul3A_4, %dma_start3A_88] : memref<128x128xi32, #tpu.memory_space<hbm>> -> memref<4x128xi32, #tpu.memory_space<hbm>>
      %dma_start3A_90 = arith.constant 0 : i32
      %dma_start3A_91 = tpu.memref_slice %arg2[%mul3A_4, %dma_start3A_90] : memref<128x128xi32, #tpu.memory_space<hbm>> -> memref<4x128xi32, #tpu.memory_space<hbm>>
      tpu.enqueue_dma source(%dma_start3A_91 : memref<4x128xi32, #tpu.memory_space<hbm>>) target(%arg6 : memref<4x128xi32, #tpu.memory_space<vmem>>) target_semaphore(%run_scoped3A : memref<!tpu.dma_semaphore, #tpu.memory_space<semaphore_mem>>)
      %dma_wait3A_92 = arith.constant 0 : i32
      %dma_wait3A_93 = tpu.memref_slice %arg2[%mul3A_4, %dma_wait3A_92] : memref<128x128xi32, #tpu.memory_space<hbm>> -> memref<4x128xi32, #tpu.memory_space<hbm>>
      %dma_wait3A_94 = arith.constant 0 : i32
      %dma_wait3A_95 = tpu.memref_slice %arg2[%mul3A_4, %dma_wait3A_94] : memref<128x128xi32, #tpu.memory_space<hbm>> -> memref<4x128xi32, #tpu.memory_space<hbm>>
      tpu.wait_dma2 semaphore(%run_scoped3A : memref<!tpu.dma_semaphore, #tpu.memory_space<semaphore_mem>>) src(%dma_wait3A_95 : memref<4x128xi32, #tpu.memory_space<hbm>>) dst(%arg6 : memref<4x128xi32, #tpu.memory_space<vmem>>)
      tpu.yield
    }) : () -> ()
    "tpu.region"() ({
      %run_scoped3A = tpu.sem_alloc : memref<!tpu.dma_semaphore, #tpu.memory_space<semaphore_mem>>
      %dma_start3A_88 = arith.constant 0 : i32
      %dma_start3A_89 = tpu.memref_slice %arg4[%mul3A_2, %dma_start3A_88] : memref<16384x16xf32, #tpu.memory_space<hbm>> -> memref<512x16xf32, #tpu.memory_space<hbm>>
      %dma_start3A_90 = arith.constant 0 : i32
      %dma_start3A_91 = tpu.memref_slice %arg4[%mul3A_2, %dma_start3A_90] : memref<16384x16xf32, #tpu.memory_space<hbm>> -> memref<512x16xf32, #tpu.memory_space<hbm>>
      tpu.enqueue_dma source(%dma_start3A_91 : memref<512x16xf32, #tpu.memory_space<hbm>>) target(%arg8 : memref<512x16xf32, #tpu.memory_space<vmem>>) target_semaphore(%run_scoped3A : memref<!tpu.dma_semaphore, #tpu.memory_space<semaphore_mem>>)
      %dma_wait3A_92 = arith.constant 0 : i32
      %dma_wait3A_93 = tpu.memref_slice %arg4[%mul3A_2, %dma_wait3A_92] : memref<16384x16xf32, #tpu.memory_space<hbm>> -> memref<512x16xf32, #tpu.memory_space<hbm>>
      %dma_wait3A_94 = arith.constant 0 : i32
      %dma_wait3A_95 = tpu.memref_slice %arg4[%mul3A_2, %dma_wait3A_94] : memref<16384x16xf32, #tpu.memory_space<hbm>> -> memref<512x16xf32, #tpu.memory_space<hbm>>
      tpu.wait_dma2 semaphore(%run_scoped3A : memref<!tpu.dma_semaphore, #tpu.memory_space<semaphore_mem>>) src(%dma_wait3A_95 : memref<512x16xf32, #tpu.memory_space<hbm>>) dst(%arg8 : memref<512x16xf32, #tpu.memory_space<vmem>>)
      tpu.yield
    }) : () -> ()
    %dma_start3A = arith.constant 0 : i32
    %dma_start3A_5 = arith.constant 0 : i32
    %dma_start3A_6 = arith.constant 0 : i32
    %dma_start3A_7 = tpu.memref_slice %arg7[%dma_start3A_5, %dma_start3A_6] : memref<512x16xf32, #tpu.memory_space<vmem>> -> memref<128x16xf32, #tpu.memory_space<vmem>>
    %dma_start3A_8 = arith.constant 0 : i32
    %dma_start3A_9 = tpu.memref_slice %arg6[%dma_start3A, %dma_start3A_8] : memref<4x128xi32, #tpu.memory_space<vmem>> -> memref<1x128xi32, #tpu.memory_space<vmem>>
    %dma_start3A_10 = tpu.memref_squeeze %dma_start3A_9 : memref<1x128xi32, #tpu.memory_space<vmem>> -> memref<128xi32, #tpu.memory_space<vmem>>
    %dma_start3A_11 = arith.constant 0 : i32
    %dma_start3A_12 = arith.constant 0 : i32
    %dma_start3A_13 = tpu.memref_slice %arg3[%dma_start3A_11, %dma_start3A_12] : memref<4096x16xf32, #tpu.memory_space<hbm>> -> memref<4096x16xf32, #tpu.memory_space<hbm>>
    tpu.enqueue_indirect_dma source(%dma_start3A_13 : memref<4096x16xf32, #tpu.memory_space<hbm>>) target(%dma_start3A_7 : memref<128x16xf32, #tpu.memory_space<vmem>>) offsets(%dma_start3A_10 : memref<128xi32, #tpu.memory_space<vmem>>) semaphore(%arg9 : memref<!tpu.dma_semaphore, #tpu.memory_space<semaphore_mem>>)
    %dma_start3A_14 = arith.constant 1 : i32
    %dma_start3A_15 = arith.constant 128 : i32
    %dma_start3A_16 = arith.constant 0 : i32
    %dma_start3A_17 = tpu.memref_slice %arg7[%dma_start3A_15, %dma_start3A_16] : memref<512x16xf32, #tpu.memory_space<vmem>> -> memref<128x16xf32, #tpu.memory_space<vmem>>
    %dma_start3A_18 = arith.constant 0 : i32
    %dma_start3A_19 = tpu.memref_slice %arg6[%dma_start3A_14, %dma_start3A_18] : memref<4x128xi32, #tpu.memory_space<vmem>> -> memref<1x128xi32, #tpu.memory_space<vmem>>
    %dma_start3A_20 = tpu.memref_squeeze %dma_start3A_19 : memref<1x128xi32, #tpu.memory_space<vmem>> -> memref<128xi32, #tpu.memory_space<vmem>>
    %dma_start3A_21 = arith.constant 0 : i32
    %dma_start3A_22 = arith.constant 0 : i32
    %dma_start3A_23 = tpu.memref_slice %arg3[%dma_start3A_21, %dma_start3A_22] : memref<4096x16xf32, #tpu.memory_space<hbm>> -> memref<4096x16xf32, #tpu.memory_space<hbm>>
    tpu.enqueue_indirect_dma source(%dma_start3A_23 : memref<4096x16xf32, #tpu.memory_space<hbm>>) target(%dma_start3A_17 : memref<128x16xf32, #tpu.memory_space<vmem>>) offsets(%dma_start3A_20 : memref<128xi32, #tpu.memory_space<vmem>>) semaphore(%arg9 : memref<!tpu.dma_semaphore, #tpu.memory_space<semaphore_mem>>)
    %dma_start3A_24 = arith.constant 2 : i32
    %dma_start3A_25 = arith.constant 256 : i32
    %dma_start3A_26 = arith.constant 0 : i32
    %dma_start3A_27 = tpu.memref_slice %arg7[%dma_start3A_25, %dma_start3A_26] : memref<512x16xf32, #tpu.memory_space<vmem>> -> memref<128x16xf32, #tpu.memory_space<vmem>>
    %dma_start3A_28 = arith.constant 0 : i32
    %dma_start3A_29 = tpu.memref_slice %arg6[%dma_start3A_24, %dma_start3A_28] : memref<4x128xi32, #tpu.memory_space<vmem>> -> memref<1x128xi32, #tpu.memory_space<vmem>>
    %dma_start3A_30 = tpu.memref_squeeze %dma_start3A_29 : memref<1x128xi32, #tpu.memory_space<vmem>> -> memref<128xi32, #tpu.memory_space<vmem>>
    %dma_start3A_31 = arith.constant 0 : i32
    %dma_start3A_32 = arith.constant 0 : i32
    %dma_start3A_33 = tpu.memref_slice %arg3[%dma_start3A_31, %dma_start3A_32] : memref<4096x16xf32, #tpu.memory_space<hbm>> -> memref<4096x16xf32, #tpu.memory_space<hbm>>
    tpu.enqueue_indirect_dma source(%dma_start3A_33 : memref<4096x16xf32, #tpu.memory_space<hbm>>) target(%dma_start3A_27 : memref<128x16xf32, #tpu.memory_space<vmem>>) offsets(%dma_start3A_30 : memref<128xi32, #tpu.memory_space<vmem>>) semaphore(%arg9 : memref<!tpu.dma_semaphore, #tpu.memory_space<semaphore_mem>>)
    %dma_start3A_34 = arith.constant 3 : i32
    %dma_start3A_35 = arith.constant 384 : i32
    %dma_start3A_36 = arith.constant 0 : i32
    %dma_start3A_37 = tpu.memref_slice %arg7[%dma_start3A_35, %dma_start3A_36] : memref<512x16xf32, #tpu.memory_space<vmem>> -> memref<128x16xf32, #tpu.memory_space<vmem>>
    %dma_start3A_38 = arith.constant 0 : i32
    %dma_start3A_39 = tpu.memref_slice %arg6[%dma_start3A_34, %dma_start3A_38] : memref<4x128xi32, #tpu.memory_space<vmem>> -> memref<1x128xi32, #tpu.memory_space<vmem>>
    %dma_start3A_40 = tpu.memref_squeeze %dma_start3A_39 : memref<1x128xi32, #tpu.memory_space<vmem>> -> memref<128xi32, #tpu.memory_space<vmem>>
    %dma_start3A_41 = arith.constant 0 : i32
    %dma_start3A_42 = arith.constant 0 : i32
    %dma_start3A_43 = tpu.memref_slice %arg3[%dma_start3A_41, %dma_start3A_42] : memref<4096x16xf32, #tpu.memory_space<hbm>> -> memref<4096x16xf32, #tpu.memory_space<hbm>>
    tpu.enqueue_indirect_dma source(%dma_start3A_43 : memref<4096x16xf32, #tpu.memory_space<hbm>>) target(%dma_start3A_37 : memref<128x16xf32, #tpu.memory_space<vmem>>) offsets(%dma_start3A_40 : memref<128xi32, #tpu.memory_space<vmem>>) semaphore(%arg9 : memref<!tpu.dma_semaphore, #tpu.memory_space<semaphore_mem>>)
    %dma_wait3A = arith.constant 0 : i32
    %dma_wait3A_44 = arith.constant 0 : i32
    %dma_wait3A_45 = arith.constant 0 : i32
    %dma_wait3A_46 = tpu.memref_slice %arg7[%dma_wait3A_44, %dma_wait3A_45] : memref<512x16xf32, #tpu.memory_space<vmem>> -> memref<128x16xf32, #tpu.memory_space<vmem>>
    %dma_wait3A_47 = arith.constant 0 : i32
    %dma_wait3A_48 = tpu.memref_slice %arg6[%dma_wait3A, %dma_wait3A_47] : memref<4x128xi32, #tpu.memory_space<vmem>> -> memref<1x128xi32, #tpu.memory_space<vmem>>
    %dma_wait3A_49 = tpu.memref_squeeze %dma_wait3A_48 : memref<1x128xi32, #tpu.memory_space<vmem>> -> memref<128xi32, #tpu.memory_space<vmem>>
    %dma_wait3A_50 = arith.constant 0 : i32
    %dma_wait3A_51 = arith.constant 0 : i32
    %dma_wait3A_52 = tpu.memref_slice %arg3[%dma_wait3A_50, %dma_wait3A_51] : memref<4096x16xf32, #tpu.memory_space<hbm>> -> memref<4096x16xf32, #tpu.memory_space<hbm>>
    tpu.wait_indirect_dma semaphore(%arg9 : memref<!tpu.dma_semaphore, #tpu.memory_space<semaphore_mem>>) src(%dma_wait3A_52 : memref<4096x16xf32, #tpu.memory_space<hbm>>) dst(%dma_wait3A_46 : memref<128x16xf32, #tpu.memory_space<vmem>>)
    %dma_wait3A_53 = arith.constant 1 : i32
    %dma_wait3A_54 = arith.constant 128 : i32
    %dma_wait3A_55 = arith.constant 0 : i32
    %dma_wait3A_56 = tpu.memref_slice %arg7[%dma_wait3A_54, %dma_wait3A_55] : memref<512x16xf32, #tpu.memory_space<vmem>> -> memref<128x16xf32, #tpu.memory_space<vmem>>
    %dma_wait3A_57 = arith.constant 0 : i32
    %dma_wait3A_58 = tpu.memref_slice %arg6[%dma_wait3A_53, %dma_wait3A_57] : memref<4x128xi32, #tpu.memory_space<vmem>> -> memref<1x128xi32, #tpu.memory_space<vmem>>
    %dma_wait3A_59 = tpu.memref_squeeze %dma_wait3A_58 : memref<1x128xi32, #tpu.memory_space<vmem>> -> memref<128xi32, #tpu.memory_space<vmem>>
    %dma_wait3A_60 = arith.constant 0 : i32
    %dma_wait3A_61 = arith.constant 0 : i32
    %dma_wait3A_62 = tpu.memref_slice %arg3[%dma_wait3A_60, %dma_wait3A_61] : memref<4096x16xf32, #tpu.memory_space<hbm>> -> memref<4096x16xf32, #tpu.memory_space<hbm>>
    tpu.wait_indirect_dma semaphore(%arg9 : memref<!tpu.dma_semaphore, #tpu.memory_space<semaphore_mem>>) src(%dma_wait3A_62 : memref<4096x16xf32, #tpu.memory_space<hbm>>) dst(%dma_wait3A_56 : memref<128x16xf32, #tpu.memory_space<vmem>>)
    %dma_wait3A_63 = arith.constant 2 : i32
    %dma_wait3A_64 = arith.constant 256 : i32
    %dma_wait3A_65 = arith.constant 0 : i32
    %dma_wait3A_66 = tpu.memref_slice %arg7[%dma_wait3A_64, %dma_wait3A_65] : memref<512x16xf32, #tpu.memory_space<vmem>> -> memref<128x16xf32, #tpu.memory_space<vmem>>
    %dma_wait3A_67 = arith.constant 0 : i32
    %dma_wait3A_68 = tpu.memref_slice %arg6[%dma_wait3A_63, %dma_wait3A_67] : memref<4x128xi32, #tpu.memory_space<vmem>> -> memref<1x128xi32, #tpu.memory_space<vmem>>
    %dma_wait3A_69 = tpu.memref_squeeze %dma_wait3A_68 : memref<1x128xi32, #tpu.memory_space<vmem>> -> memref<128xi32, #tpu.memory_space<vmem>>
    %dma_wait3A_70 = arith.constant 0 : i32
    %dma_wait3A_71 = arith.constant 0 : i32
    %dma_wait3A_72 = tpu.memref_slice %arg3[%dma_wait3A_70, %dma_wait3A_71] : memref<4096x16xf32, #tpu.memory_space<hbm>> -> memref<4096x16xf32, #tpu.memory_space<hbm>>
    tpu.wait_indirect_dma semaphore(%arg9 : memref<!tpu.dma_semaphore, #tpu.memory_space<semaphore_mem>>) src(%dma_wait3A_72 : memref<4096x16xf32, #tpu.memory_space<hbm>>) dst(%dma_wait3A_66 : memref<128x16xf32, #tpu.memory_space<vmem>>)
    %dma_wait3A_73 = arith.constant 3 : i32
    %dma_wait3A_74 = arith.constant 384 : i32
    %dma_wait3A_75 = arith.constant 0 : i32
    %dma_wait3A_76 = tpu.memref_slice %arg7[%dma_wait3A_74, %dma_wait3A_75] : memref<512x16xf32, #tpu.memory_space<vmem>> -> memref<128x16xf32, #tpu.memory_space<vmem>>
    %dma_wait3A_77 = arith.constant 0 : i32
    %dma_wait3A_78 = tpu.memref_slice %arg6[%dma_wait3A_73, %dma_wait3A_77] : memref<4x128xi32, #tpu.memory_space<vmem>> -> memref<1x128xi32, #tpu.memory_space<vmem>>
    %dma_wait3A_79 = tpu.memref_squeeze %dma_wait3A_78 : memref<1x128xi32, #tpu.memory_space<vmem>> -> memref<128xi32, #tpu.memory_space<vmem>>
    %dma_wait3A_80 = arith.constant 0 : i32
    %dma_wait3A_81 = arith.constant 0 : i32
    %dma_wait3A_82 = tpu.memref_slice %arg3[%dma_wait3A_80, %dma_wait3A_81] : memref<4096x16xf32, #tpu.memory_space<hbm>> -> memref<4096x16xf32, #tpu.memory_space<hbm>>
    tpu.wait_indirect_dma semaphore(%arg9 : memref<!tpu.dma_semaphore, #tpu.memory_space<semaphore_mem>>) src(%dma_wait3A_82 : memref<4096x16xf32, #tpu.memory_space<hbm>>) dst(%dma_wait3A_76 : memref<128x16xf32, #tpu.memory_space<vmem>>)
    %scan3A = arith.constant 0 : i32
    %scan3A_83 = arith.constant 0 : i32
    %scan3A_84 = arith.constant 512 : i32
    %scan3A_85 = arith.addi %scan3A_83, %scan3A_84 : i32
    %scan3A_86 = arith.constant 1 : i32
    scf.for %scan3A_88 = %scan3A_83 to %scan3A_85 step %scan3A_86  : i32 {
      %get3A = arith.index_cast %scan3A_88 : i32 to index
      %get3A_89 = arith.constant 0 : index
      %get3A_90 = tpu.vector_load %arg7[%get3A, %get3A_89] {strides = array<i32>} : memref<512x16xf32, #tpu.memory_space<vmem>>, vector<1x16xf32>,
      %get3A_91 = vector.shape_cast %get3A_90 : vector<1x16xf32> to vector<16xf32>
      %get3A_92 = arith.index_cast %scan3A_88 : i32 to index
      %get3A_93 = arith.constant 0 : index
      %get3A_94 = tpu.vector_load %arg8[%get3A_92, %get3A_93] {strides = array<i32>} : memref<512x16xf32, #tpu.memory_space<vmem>>, vector<1x16xf32>,
      %get3A_95 = vector.shape_cast %get3A_94 : vector<1x16xf32> to vector<16xf32>
      %add3A_96 = arith.addf %get3A_91, %get3A_95 : vector<16xf32>
      %swap3A = arith.index_cast %scan3A_88 : i32 to index
      %swap3A_97 = arith.constant 0 : index
      %swap3A_98 = tpu.vector_load %arg7[%swap3A, %swap3A_97] {strides = array<i32>} : memref<512x16xf32, #tpu.memory_space<vmem>>, vector<1x16xf32>,
      %swap3A_99 = vector.shape_cast %swap3A_98 : vector<1x16xf32> to vector<16xf32>
      %swap3A_100 = vector.shape_cast %add3A_96 : vector<16xf32> to vector<1x16xf32>
      tpu.vector_store %arg7[%swap3A, %swap3A_97], %swap3A_100 {strides = array<i32>} : memref<512x16xf32, #tpu.memory_space<vmem>>, vector<1x16xf32>,
    }
    %scan3A_87 = arith.constant 512 : i32
    "tpu.region"() ({
      %run_scoped3A = tpu.sem_alloc : memref<!tpu.dma_semaphore, #tpu.memory_space<semaphore_mem>>
      %dma_start3A_88 = arith.constant 0 : i32
      %dma_start3A_89 = tpu.memref_slice %arg5[%mul3A_2, %dma_start3A_88] : memref<16384x16xf32, #tpu.memory_space<hbm>> -> memref<512x16xf32, #tpu.memory_space<hbm>>
      %dma_start3A_90 = arith.constant 0 : i32
      %dma_start3A_91 = tpu.memref_slice %arg5[%mul3A_2, %dma_start3A_90] : memref<16384x16xf32, #tpu.memory_space<hbm>> -> memref<512x16xf32, #tpu.memory_space<hbm>>
      tpu.enqueue_dma source(%arg7 : memref<512x16xf32, #tpu.memory_space<vmem>>) target(%dma_start3A_91 : memref<512x16xf32, #tpu.memory_space<hbm>>) target_semaphore(%run_scoped3A : memref<!tpu.dma_semaphore, #tpu.memory_space<semaphore_mem>>)
      %dma_wait3A_92 = arith.constant 0 : i32
      %dma_wait3A_93 = tpu.memref_slice %arg5[%mul3A_2, %dma_wait3A_92] : memref<16384x16xf32, #tpu.memory_space<hbm>> -> memref<512x16xf32, #tpu.memory_space<hbm>>
      %dma_wait3A_94 = arith.constant 0 : i32
      %dma_wait3A_95 = tpu.memref_slice %arg5[%mul3A_2, %dma_wait3A_94] : memref<16384x16xf32, #tpu.memory_space<hbm>> -> memref<512x16xf32, #tpu.memory_space<hbm>>
      tpu.wait_dma2 semaphore(%run_scoped3A : memref<!tpu.dma_semaphore, #tpu.memory_space<semaphore_mem>>) src(%arg7 : memref<512x16xf32, #tpu.memory_space<vmem>>) dst(%dma_wait3A_95 : memref<512x16xf32, #tpu.memory_space<hbm>>)
      tpu.yield
    }) : () -> ()
    return
  }
}

module attributes {stable_mosaic.version = 14 : i64} {
  func.func @_main_body(%arg0: i32, %arg1: memref<8x4096xf32, #tpu.memory_space<vmem>>, %arg2: memref<4096x8xf32, #tpu.memory_space<vmem>>, %arg3: memref<4096x128xf32, #tpu.memory_space<vmem>>, %arg4: memref<128x128xf32, #tpu.memory_space<vmem>>, %arg5: memref<1x128xf32, #tpu.memory_space<vmem>>, %arg6: memref<128x16xf32, #tpu.memory_space<vmem>>, %arg7: memref<1x16xf32, #tpu.memory_space<vmem>>, %arg8: memref<4096x16xf32, #tpu.memory_space<vmem>>, %arg9: memref<4096xi32, #tpu.memory_space<vmem>>) attributes {dimension_semantics = [#tpu.dimension_semantics<parallel>], iteration_bounds = array<i64: 4>, scalar_prefetch = 0 : i64, scratch_operands = 0 : i64, tpu.core_type = #tpu.core_type<tc>, window_params = [{transform_indices = @transform_0, window_bounds = array<i64: 8, 4096>}, {pipeline_mode = #tpu.pipeline_mode<synchronous>, transform_indices = @transform_1, window_bounds = array<i64: 4096, 8>}, {transform_indices = @transform_2, window_bounds = array<i64: 4096, 128>}, {pipeline_mode = #tpu.pipeline_mode<synchronous>, transform_indices = @transform_3, window_bounds = array<i64: 128, 128>}, {pipeline_mode = #tpu.pipeline_mode<synchronous>, transform_indices = @transform_4, window_bounds = array<i64: 1, 128>}, {pipeline_mode = #tpu.pipeline_mode<synchronous>, transform_indices = @transform_5, window_bounds = array<i64: 128, 16>}, {pipeline_mode = #tpu.pipeline_mode<synchronous>, transform_indices = @transform_6, window_bounds = array<i64: 1, 16>}, {transform_indices = @transform_7, window_bounds = array<i64: 4096, 16>}, {transform_indices = @transform_8, window_bounds = array<i64: 4096>}]} {
    %get3A = arith.constant 0 : index
    %get3A_0 = arith.constant 0 : index
    %get3A_1 = vector.load %arg1[%get3A, %get3A_0] : memref<8x4096xf32, #tpu.memory_space<vmem>>, vector<8x4096xf32>
    %add3A = arith.addf %get3A_1, %get3A_1 : vector<8x4096xf32>
    %slice3A = vector.extract_strided_slice %get3A_1 {offsets = [0, 0], sizes = [1, 4096], strides = [1, 1]} : vector<8x4096xf32> to vector<1x4096xf32>
    %slice3A_2 = vector.extract_strided_slice %get3A_1 {offsets = [1, 0], sizes = [1, 4096], strides = [1, 1]} : vector<8x4096xf32> to vector<1x4096xf32>
    %slice3A_3 = vector.extract_strided_slice %get3A_1 {offsets = [2, 0], sizes = [1, 4096], strides = [1, 1]} : vector<8x4096xf32> to vector<1x4096xf32>
    %mul3A = arith.mulf %slice3A, %slice3A : vector<1x4096xf32>
    %mul3A_4 = arith.mulf %slice3A_3, %slice3A_3 : vector<1x4096xf32>
    %add3A_5 = arith.addf %mul3A, %mul3A_4 : vector<1x4096xf32>
    %mul3A_6 = arith.mulf %slice3A_2, %slice3A_2 : vector<1x4096xf32>
    %add3A_7 = arith.addf %add3A_5, %mul3A_6 : vector<1x4096xf32>
    %broadcast_in_dim3A = arith.constant 0x7F800000 : f32
    %broadcast_in_dim3A_8 = vector.broadcast %broadcast_in_dim3A : f32 to vector<1x4096xf32>
    %broadcast_in_dim3A_9 = arith.constant 0 : i32
    %broadcast_in_dim3A_10 = vector.broadcast %broadcast_in_dim3A_9 : i32 to vector<1x4096xi32>
    %broadcast_in_dim3A_11 = arith.constant 0 : i32
    %broadcast_in_dim3A_12 = vector.broadcast %broadcast_in_dim3A_11 : i32 to vector<1x4096xi32>
    %scan3A = arith.constant 0 : i32
    %scan3A_13 = arith.constant 16 : i32
    %scan3A_14 = arith.addi %scan3A, %scan3A_13 : i32
    %scan3A_15 = arith.constant 1 : i32
    %scan3A_16:4 = scf.for %scan3A_46 = %scan3A to %scan3A_14 step %scan3A_15 iter_args(%scan3A_47 = %broadcast_in_dim3A_8, %scan3A_48 = %broadcast_in_dim3A_8, %scan3A_49 = %broadcast_in_dim3A_10, %scan3A_50 = %broadcast_in_dim3A_12) -> (vector<1x4096xf32>, vector<1x4096xf32>, vector<1x4096xi32>, vector<1x4096xi32>)  : i32 {
      %mul3A_51 = arith.constant 256 : i32
      %mul3A_52 = arith.muli %scan3A_46, %mul3A_51 : i32
      %get3A_53 = arith.index_cast %mul3A_52 : i32 to index
      %get3A_54 = arith.constant 0 : index
      %get3A_55 = vector.load %arg2[%get3A_53, %get3A_54] : memref<4096x8xf32, #tpu.memory_space<vmem>>, vector<256x8xf32>
      %convert_element_type3A = arith.truncf %get3A_55 : vector<256x8xf32> to vector<256x8xbf16>
      %convert_element_type3A_56 = arith.truncf %add3A : vector<8x4096xf32> to vector<8x4096xbf16>
      %dot_general3A_57 = arith.constant dense<0.000000e+00> : vector<256x4096xf32>
      %dot_general3A_58 = tpu.matmul %convert_element_type3A, %convert_element_type3A_56, %dot_general3A_57 {dimension_numbers = #tpu.dot_dimension_numbers<[1], [0], [0], [1], [0, 0, 1, 1], [], []>, transpose_lhs_hint = false} : vector<256x8xbf16>, vector<8x4096xbf16>, vector<256x4096xf32> -> vector<256x4096xf32>
      %slice3A_59 = vector.extract_strided_slice %get3A_55 {offsets = [0, 0], sizes = [256, 1], strides = [1, 1]} : vector<256x8xf32> to vector<256x1xf32>
      %slice3A_60 = vector.extract_strided_slice %get3A_55 {offsets = [0, 1], sizes = [256, 1], strides = [1, 1]} : vector<256x8xf32> to vector<256x1xf32>
      %slice3A_61 = vector.extract_strided_slice %get3A_55 {offsets = [0, 2], sizes = [256, 1], strides = [1, 1]} : vector<256x8xf32> to vector<256x1xf32>
      %mul3A_62 = arith.mulf %slice3A_59, %slice3A_59 : vector<256x1xf32>
      %mul3A_63 = arith.mulf %slice3A_61, %slice3A_61 : vector<256x1xf32>
      %add3A_64 = arith.addf %mul3A_62, %mul3A_63 : vector<256x1xf32>
      %mul3A_65 = arith.mulf %slice3A_60, %slice3A_60 : vector<256x1xf32>
      %add3A_66 = arith.addf %add3A_64, %mul3A_65 : vector<256x1xf32>
      %sub3A = vector.broadcast %add3A_7 : vector<1x4096xf32> to vector<256x4096xf32>
      %sub3A_67 = arith.subf %sub3A, %dot_general3A_58 : vector<256x4096xf32>
      %add3A_68 = vector.broadcast %add3A_66 : vector<256x1xf32> to vector<256x4096xf32>
      %add3A_69 = arith.addf %sub3A_67, %add3A_68 : vector<256x4096xf32>
      %reduce_min3A = arith.constant dense<0x7F800000> : vector<4096xf32>
      %reduce_min3A_70 = vector.multi_reduction <minimumf>, %add3A_69, %reduce_min3A [0] : vector<256x4096xf32> to vector<4096xf32>
      %broadcast_in_dim3A_71 = vector.shape_cast %reduce_min3A_70 : vector<4096xf32> to vector<1x4096xf32>
      %iota3A = tpu.iota {dimensions = array<i32: 0>} : vector<256x4096xi32>
      %mul3A_72 = arith.constant 256 : i32
      %mul3A_73 = arith.muli %scan3A_46, %mul3A_72 : i32
      %add3A_74 = vector.broadcast %mul3A_73 : i32 to vector<256x4096xi32>
      %add3A_75 = arith.addi %iota3A, %add3A_74 : vector<256x4096xi32>
      %eq3A = vector.broadcast %broadcast_in_dim3A_71 : vector<1x4096xf32> to vector<256x4096xf32>
      %eq3A_76 = arith.cmpf oeq, %add3A_69, %eq3A : vector<256x4096xf32>
      %jit3A = arith.constant 4096 : i32
      %broadcast_in_dim3A_77 = vector.broadcast %jit3A : i32 to vector<256x4096xi32>
      %select_n3A = arith.select %eq3A_76, %add3A_75, %broadcast_in_dim3A_77 : vector<256x4096xi1>, vector<256x4096xi32>
      %reduce_min3A_78 = arith.constant dense<2147483647> : vector<4096xi32>
      %reduce_min3A_79 = vector.multi_reduction <minsi>, %select_n3A, %reduce_min3A_78 [0] : vector<256x4096xi32> to vector<4096xi32>
      %broadcast_in_dim3A_80 = vector.shape_cast %reduce_min3A_79 : vector<4096xi32> to vector<1x4096xi32>
      %le3A = arith.constant 2 : i32
      %le3A_81 = vector.broadcast %le3A : i32 to vector<1x4096xi32>
      %le3A_82 = arith.cmpi sle, %scan3A_50, %le3A_81 : vector<1x4096xi32>
      %select_n3A_83 = arith.select %le3A_82, %scan3A_47, %scan3A_48 : vector<1x4096xi1>, vector<1x4096xf32>
      %lt3A = arith.cmpf olt, %broadcast_in_dim3A_71, %select_n3A_83 : vector<1x4096xf32>
      %convert_element_type3A_84 = arith.truncf %broadcast_in_dim3A_71 : vector<1x4096xf32> to vector<1x4096xbf16>
      %convert_element_type3A_85 = arith.extf %convert_element_type3A_84 : vector<1x4096xbf16> to vector<1x4096xf32>
      %select_n3A_86 = arith.select %lt3A, %broadcast_in_dim3A_71, %scan3A_47 : vector<1x4096xi1>, vector<1x4096xf32>
      %select_n3A_87 = arith.select %lt3A, %convert_element_type3A_85, %scan3A_48 : vector<1x4096xi1>, vector<1x4096xf32>
      %select_n3A_88 = arith.select %lt3A, %broadcast_in_dim3A_80, %scan3A_49 : vector<1x4096xi1>, vector<1x4096xi32>
      %add3A_89 = arith.constant 1 : i32
      %add3A_90 = vector.broadcast %add3A_89 : i32 to vector<1x4096xi32>
      %add3A_91 = arith.addi %scan3A_50, %add3A_90 : vector<1x4096xi32>
      %jit3A_92 = arith.constant 1 : i32
      %broadcast_in_dim3A_93 = vector.broadcast %jit3A_92 : i32 to vector<1x4096xi32>
      %select_n3A_94 = arith.select %lt3A, %broadcast_in_dim3A_93, %add3A_91 : vector<1x4096xi1>, vector<1x4096xi32>
      scf.yield %select_n3A_86, %select_n3A_87, %select_n3A_88, %select_n3A_94 : vector<1x4096xf32>, vector<1x4096xf32>, vector<1x4096xi32>, vector<1x4096xi32>
    }
    %scan3A_17 = arith.constant 16 : i32
    %reshape3A = vector.shape_cast %scan3A_16#2 : vector<1x4096xi32> to vector<4096xi32>
    %swap3A = arith.constant 0 : index
    %swap3A_18 = vector.load %arg9[%swap3A] : memref<4096xi32, #tpu.memory_space<vmem>>, vector<4096xi32>
    tpu.vector_store %arg9[%swap3A], %reshape3A {strides = array<i32>} : memref<4096xi32, #tpu.memory_space<vmem>>, vector<4096xi32>,
    %get3A_19 = arith.constant 0 : index
    %get3A_20 = arith.constant 0 : index
    %get3A_21 = vector.load %arg3[%get3A_19, %get3A_20] : memref<4096x128xf32, #tpu.memory_space<vmem>>, vector<4096x128xf32>
    %get3A_22 = arith.constant 0 : index
    %get3A_23 = arith.constant 0 : index
    %get3A_24 = vector.load %arg4[%get3A_22, %get3A_23] : memref<128x128xf32, #tpu.memory_space<vmem>>, vector<128x128xf32>
    %dot_general3A = arith.constant dense<0.000000e+00> : vector<4096x128xf32>
    %dot_general3A_25 = tpu.matmul %get3A_21, %get3A_24, %dot_general3A {dimension_numbers = #tpu.dot_dimension_numbers<[1], [0], [0], [1], [0, 0, 1, 1], [], []>, transpose_lhs_hint = false} : vector<4096x128xf32>, vector<128x128xf32>, vector<4096x128xf32> -> vector<4096x128xf32>
    %get3A_26 = arith.constant 0 : index
    %get3A_27 = arith.constant 0 : index
    %get3A_28 = vector.load %arg5[%get3A_26, %get3A_27] : memref<1x128xf32, #tpu.memory_space<vmem>>, vector<1x128xf32>
    %add3A_29 = vector.broadcast %get3A_28 : vector<1x128xf32> to vector<4096x128xf32>
    %add3A_30 = arith.addf %dot_general3A_25, %add3A_29 : vector<4096x128xf32>
    %max3A = arith.constant 0.000000e+00 : f32
    %max3A_31 = vector.broadcast %max3A : f32 to vector<4096x128xf32>
    %max3A_32 = arith.maximumf %add3A_30, %max3A_31 : vector<4096x128xf32>
    %get3A_33 = arith.constant 0 : index
    %get3A_34 = arith.constant 0 : index
    %get3A_35 = vector.load %arg6[%get3A_33, %get3A_34] : memref<128x16xf32, #tpu.memory_space<vmem>>, vector<128x16xf32>
    %dot_general3A_36 = arith.constant dense<0.000000e+00> : vector<4096x16xf32>
    %dot_general3A_37 = tpu.matmul %max3A_32, %get3A_35, %dot_general3A_36 {dimension_numbers = #tpu.dot_dimension_numbers<[1], [0], [0], [1], [0, 0, 1, 1], [], []>, transpose_lhs_hint = false} : vector<4096x128xf32>, vector<128x16xf32>, vector<4096x16xf32> -> vector<4096x16xf32>
    %get3A_38 = arith.constant 0 : index
    %get3A_39 = arith.constant 0 : index
    %get3A_40 = vector.load %arg7[%get3A_38, %get3A_39] : memref<1x16xf32, #tpu.memory_space<vmem>>, vector<1x16xf32>
    %add3A_41 = vector.broadcast %get3A_40 : vector<1x16xf32> to vector<4096x16xf32>
    %add3A_42 = arith.addf %dot_general3A_37, %add3A_41 : vector<4096x16xf32>
    %swap3A_43 = arith.constant 0 : index
    %swap3A_44 = arith.constant 0 : index
    %swap3A_45 = vector.load %arg8[%swap3A_43, %swap3A_44] : memref<4096x16xf32, #tpu.memory_space<vmem>>, vector<4096x16xf32>
    tpu.vector_store %arg8[%swap3A_43, %swap3A_44], %add3A_42 {strides = array<i32>} : memref<4096x16xf32, #tpu.memory_space<vmem>>, vector<4096x16xf32>,
    return
  }
  func.func @transform_0(%arg0: i32) -> (i32, i32) {
    %c0_i32 = arith.constant 0 : i32
    %c0_i32_0 = arith.constant 0 : i32
    return %c0_i32, %arg0 : i32, i32
  }
  func.func @transform_1(%arg0: i32) -> (i32, i32) {
    %c0_i32 = arith.constant 0 : i32
    %c0_i32_0 = arith.constant 0 : i32
    %c0_i32_1 = arith.constant 0 : i32
    return %c0_i32, %c0_i32_0 : i32, i32
  }
  func.func @transform_2(%arg0: i32) -> (i32, i32) {
    %c0_i32 = arith.constant 0 : i32
    %c0_i32_0 = arith.constant 0 : i32
    return %arg0, %c0_i32 : i32, i32
  }
  func.func @transform_3(%arg0: i32) -> (i32, i32) {
    %c0_i32 = arith.constant 0 : i32
    %c0_i32_0 = arith.constant 0 : i32
    %c0_i32_1 = arith.constant 0 : i32
    return %c0_i32, %c0_i32_0 : i32, i32
  }
  func.func @transform_4(%arg0: i32) -> (i32, i32) {
    %c0_i32 = arith.constant 0 : i32
    %c0_i32_0 = arith.constant 0 : i32
    %c0_i32_1 = arith.constant 0 : i32
    return %c0_i32, %c0_i32_0 : i32, i32
  }
  func.func @transform_5(%arg0: i32) -> (i32, i32) {
    %c0_i32 = arith.constant 0 : i32
    %c0_i32_0 = arith.constant 0 : i32
    %c0_i32_1 = arith.constant 0 : i32
    return %c0_i32, %c0_i32_0 : i32, i32
  }
  func.func @transform_6(%arg0: i32) -> (i32, i32) {
    %c0_i32 = arith.constant 0 : i32
    %c0_i32_0 = arith.constant 0 : i32
    %c0_i32_1 = arith.constant 0 : i32
    return %c0_i32, %c0_i32_0 : i32, i32
  }
  func.func @transform_7(%arg0: i32) -> (i32, i32) {
    %c0_i32 = arith.constant 0 : i32
    %c0_i32_0 = arith.constant 0 : i32
    return %arg0, %c0_i32 : i32, i32
  }
  func.func @transform_8(%arg0: i32) -> i32 {
    %c0_i32 = arith.constant 0 : i32
    return %arg0 : i32
  }
}

module attributes {stable_mosaic.version = 14 : i64} {
  func.func @_g1_body(%arg0: i32, %arg1: memref<4096x256xf32, #tpu.memory_space<vmem>>, %arg2: memref<256x128xf32, #tpu.memory_space<vmem>>, %arg3: memref<1x128xf32, #tpu.memory_space<vmem>>, %arg4: memref<128x16xf32, #tpu.memory_space<vmem>>, %arg5: memref<4096x16xf32, #tpu.memory_space<vmem>>) attributes {dimension_semantics = [#tpu.dimension_semantics<parallel>], iteration_bounds = array<i64: 1>, scalar_prefetch = 0 : i64, scratch_operands = 0 : i64, tpu.core_type = #tpu.core_type<tc>, window_params = [{transform_indices = @transform_0, window_bounds = array<i64: 4096, 256>}, {pipeline_mode = #tpu.pipeline_mode<synchronous>, transform_indices = @transform_1, window_bounds = array<i64: 256, 128>}, {pipeline_mode = #tpu.pipeline_mode<synchronous>, transform_indices = @transform_2, window_bounds = array<i64: 1, 128>}, {pipeline_mode = #tpu.pipeline_mode<synchronous>, transform_indices = @transform_3, window_bounds = array<i64: 128, 16>}, {transform_indices = @transform_4, window_bounds = array<i64: 4096, 16>}]} {
    %get3A = arith.constant 0 : index
    %get3A_0 = arith.constant 0 : index
    %get3A_1 = vector.load %arg1[%get3A, %get3A_0] : memref<4096x256xf32, #tpu.memory_space<vmem>>, vector<4096x256xf32>
    %get3A_2 = arith.constant 0 : index
    %get3A_3 = arith.constant 0 : index
    %get3A_4 = vector.load %arg2[%get3A_2, %get3A_3] : memref<256x128xf32, #tpu.memory_space<vmem>>, vector<256x128xf32>
    %dot_general3A = arith.constant dense<0.000000e+00> : vector<4096x128xf32>
    %dot_general3A_5 = tpu.matmul %get3A_1, %get3A_4, %dot_general3A {dimension_numbers = #tpu.dot_dimension_numbers<[1], [0], [0], [1], [0, 0, 1, 1], [], []>, transpose_lhs_hint = false} : vector<4096x256xf32>, vector<256x128xf32>, vector<4096x128xf32> -> vector<4096x128xf32>
    %get3A_6 = arith.constant 0 : index
    %get3A_7 = arith.constant 0 : index
    %get3A_8 = vector.load %arg3[%get3A_6, %get3A_7] : memref<1x128xf32, #tpu.memory_space<vmem>>, vector<1x128xf32>
    %add3A = vector.broadcast %get3A_8 : vector<1x128xf32> to vector<4096x128xf32>
    %add3A_9 = arith.addf %dot_general3A_5, %add3A : vector<4096x128xf32>
    %max3A = arith.constant 0.000000e+00 : f32
    %max3A_10 = vector.broadcast %max3A : f32 to vector<4096x128xf32>
    %max3A_11 = arith.maximumf %add3A_9, %max3A_10 : vector<4096x128xf32>
    %get3A_12 = arith.constant 0 : index
    %get3A_13 = arith.constant 0 : index
    %get3A_14 = vector.load %arg4[%get3A_12, %get3A_13] : memref<128x16xf32, #tpu.memory_space<vmem>>, vector<128x16xf32>
    %dot_general3A_15 = arith.constant dense<0.000000e+00> : vector<4096x16xf32>
    %dot_general3A_16 = tpu.matmul %max3A_11, %get3A_14, %dot_general3A_15 {dimension_numbers = #tpu.dot_dimension_numbers<[1], [0], [0], [1], [0, 0, 1, 1], [], []>, transpose_lhs_hint = false} : vector<4096x128xf32>, vector<128x16xf32>, vector<4096x16xf32> -> vector<4096x16xf32>
    %swap3A = arith.constant 0 : index
    %swap3A_17 = arith.constant 0 : index
    %swap3A_18 = vector.load %arg5[%swap3A, %swap3A_17] : memref<4096x16xf32, #tpu.memory_space<vmem>>, vector<4096x16xf32>
    tpu.vector_store %arg5[%swap3A, %swap3A_17], %dot_general3A_16 {strides = array<i32>} : memref<4096x16xf32, #tpu.memory_space<vmem>>, vector<4096x16xf32>,
    return
  }
  func.func @transform_0(%arg0: i32) -> (i32, i32) {
    %c0_i32 = arith.constant 0 : i32
    %c0_i32_0 = arith.constant 0 : i32
    return %arg0, %c0_i32 : i32, i32
  }
  func.func @transform_1(%arg0: i32) -> (i32, i32) {
    %c0_i32 = arith.constant 0 : i32
    %c0_i32_0 = arith.constant 0 : i32
    %c0_i32_1 = arith.constant 0 : i32
    return %c0_i32, %c0_i32_0 : i32, i32
  }
  func.func @transform_2(%arg0: i32) -> (i32, i32) {
    %c0_i32 = arith.constant 0 : i32
    %c0_i32_0 = arith.constant 0 : i32
    %c0_i32_1 = arith.constant 0 : i32
    return %c0_i32, %c0_i32_0 : i32, i32
  }
  func.func @transform_3(%arg0: i32) -> (i32, i32) {
    %c0_i32 = arith.constant 0 : i32
    %c0_i32_0 = arith.constant 0 : i32
    %c0_i32_1 = arith.constant 0 : i32
    return %c0_i32, %c0_i32_0 : i32, i32
  }
  func.func @transform_4(%arg0: i32) -> (i32, i32) {
    %c0_i32 = arith.constant 0 : i32
    %c0_i32_0 = arith.constant 0 : i32
    return %arg0, %c0_i32 : i32, i32
  }
}

</mosaic_0001>

<sc_bundles>
// kernel: kernel.5.cloned.1.call-start
scs
__scs_entry_jumppad:
0x0: {  	(pc) =	sbr.rel $0x88, $3  }
0x1: {  	(tag) =	ssettag $0x0;
	lr =	simm.s32 $0x1  }
0x2: {  	[smem:$0x3F97] =	sst lr;
	_ =	strace $0xD0000000  }
0x3: {  	_ = 	snop  }
0x4: {  	_ = 	snop  }
0x5: {  	_ = 	snop  }
0x6: {  	_ = 	snop  }
0x7: {  	_ = 	snop  }
__scs_overlays_trampoline_lowered:
0x8: {  	[smem:$0x3FA6] =	sst s0  }
0x9: {  	[smem:$0x3FA7] =	sst s1  }
0xa: {  	[smem:$0x3FA8] =	sst s2  }
0xb: {  	[smem:$0x3FA9] =	sst s3  }
0xc: {  	[smem:$0x3FAA] =	sst s4  }
0xd: {  	[smem:$0x3FAB] =	sst s5  }
0xe: {  	[smem:$0x3FAC] =	sst s6  }
0xf: {  	[smem:$0x3FAD] =	sst s7  }
0x10: {  	[smem:$0x3FAE] =	sst s8  }
0x11: {  	[smem:$0x3FAF] =	sst s9;
	s0 =	simm.s32 @!p0 $0x0  }
0x12: {  	s1 =	sld [smem:$0x3F95];
	s0 =	simm.s32 @p0 $0x1  }
0x13: {  	[smem:$0x3FB0] =	sst s0;
	s0 =	simm.s32 @!p1 $0x0  }
0x14: {  	s2 =	sld [smem:$0x3F94];
	s0 =	simm.s32 @p1 $0x1  }
0x15: {  	[smem:$0x3FB1] =	sst s0;
	s0 =	simm.s32 @!p2 $0x0  }
0x16: {  	s3 =	sld [smem:$0x3FDB];
	s0 =	simm.s32 @p2 $0x1  }
0x17: {  	s4 =	simm.s32 $0x1BF5;
	[smem:$0x3FB3] =	sst s0  }
0x18: {  	s0 =	sld [smem:$0x3F96];
	_ =	swait.ge [sflag:s4], $0x0  }
0x19: {  	s7 =	sld [smem:$0x3F97]  }
0x1a: {  	s8 =	sadd.s32 $0xFFFFE003, lr  }
0x1b: {  	s9 =	sadd.s32 $0xFFFFFEF7, lr;
	s5 =	simm.s32 $0xFFFFFFFF;
	p2 =	slt.u32 s8, $0xFFFFF086  }
0x1c: {  	p1 =	slt.u32 s9, $0xF7A;
	s5 =	simm.s32 @!p2 $0x0  }
0x1d: {  	s5 =	simm.s32 @p1 $0x1;
	p0 =	seq.s32 s7, s2  }
0x1e: {  	s7 =	smul.u32 @!p0 $0xF7A, s2;
	p2 =	seq.s32 @!p0 s5, $0x0  }
0x1f: {  	s9 =	smul.u32 $0xF7A, s1;
	s8 =	simm.s32 @!p0 $0x1BF5;
	p2 =	por !p2, p0  }
0x20: {  	[sflag:s8] =	ssyncset.s32 @!p0 $0xFFFFF086;
	s6 =	sadd.s32 @!p0 s3, s7;
	s7 =	simm.s32 @!p0 $0x108  }
0x21: {  	s3 =	sadd.s32 s3, s9;
	s6 =	sadd.s32 @!p0 $0x88, s6;
	s7 =	simm.s32 @p2 $0x1082  }
0x22: {  	[simem:s7], [sflag:s8] =	dma.local @!p0 [hbm:s6], $0xF7A  }
0x23: {  	s9 =	sor.u32 $0xD0000000, s2;
	s6 =	simm.s32 $0x108;
	_ =	swait.ge @!p0 [sflag:s8], $0x0  }
0x24: {  	s3 =	sadd.s32 $0x88, s3;
	s6 =	simm.s32 @!p1 $0x1082;
	[sflag:s4] =	ssyncset.s32 $0xFFFFF086  }
0x25: {  	[simem:s6], [sflag:s4] =	dma.local [hbm:s3], $0xF7A  }
0x26: {  	[smem:$0x3F97] =	sst s1;
	(tag) =	ssettag s2;
	_ =	strace s9  }
0x27: {  	s1 =	sld [smem:$0x3FA7]  }
0x28: {  	s2 =	sld [smem:$0x3FA8]  }
0x29: {  	s4 =	sld [smem:$0x3FAA]  }
0x2a: {  	p0 =	seq.s32 s5, $0x0;
	s5 =	sld [smem:$0x3FAB]  }
0x2b: {  	s6 =	sld [smem:$0x3FAC]  }
0x2c: {  	s7 =	sld [smem:$0x3FAD]  }
0x2d: {  	s3 =	simm.s32 $0x108;
	s8 =	sld [smem:$0x3FAE]  }
0x2e: {  	s3 =	simm.s32 @!p0 $0x1082;
	s9 =	sld [smem:$0x3FAF]  }
0x2f: {  	lr =	sadd.s32 s0, s3;
	s0 =	sld [smem:$0x3FA6]  }
0x30: {  	s3 =	sld [smem:$0x3FA9]  }
0x31: {  	[smem:$0x3FB2] =	sst s10  }
0x32: {  	s10 =	sld [smem:$0x3FB0];
	_ =	sdelay $0x3  }
0x33: {  	p0 =	seq.s32 s10, $0x1;
	s10 =	sld [smem:$0x3FB2];
	_ =	sdelay $0x3  }
0x34: {  	[smem:$0x3FB2] =	sst s10  }
0x35: {  	s10 =	sld [smem:$0x3FB1];
	_ =	sdelay $0x3  }
0x36: {  	p1 =	seq.s32 s10, $0x1;
	s10 =	sld [smem:$0x3FB2];
	_ =	sdelay $0x3  }
0x37: {  	[smem:$0x3FB2] =	sst s10  }
0x38: {  	s10 =	sld [smem:$0x3FB3]  }
0x39: {  	_ = 	snop;
	(pc) =	sbr.ind lr, $3  }
0x3a: {  	_ = 	snop  }
0x3b: {  	_ = 	snop  }
0x3c: {  	p2 =	seq.s32 s10, $0x1;
	s10 =	sld [smem:$0x3FB2]  }
0x3d: {  	_ =	shalt  }
0x3e: {  	_ =	shalt  }
0x3f: {  	_ =	shalt  }
0x40: {  	_ =	shalt  }
0x41: {  	_ =	shalt  }
0x42: {  	_ =	shalt  }
0x43: {  	_ =	shalt  }
0x44: {  	_ =	shalt  }
0x45: {  	_ =	shalt  }
0x46: {  	_ =	shalt  }
0x47: {  	_ =	shalt  }
0x48: {  	_ =	shalt  }
0x49: {  	_ =	shalt  }
0x4a: {  	_ =	shalt  }
0x4b: {  	_ =	shalt  }
0x4c: {  	_ =	shalt  }
0x4d: {  	_ =	shalt  }
0x4e: {  	_ =	shalt  }
0x4f: {  	_ =	shalt  }
0x50: {  	_ =	shalt  }
0x51: {  	_ =	shalt  }
0x52: {  	_ =	shalt  }
0x53: {  	_ =	shalt  }
0x54: {  	_ =	shalt  }
0x55: {  	_ =	shalt  }
0x56: {  	_ =	shalt  }
0x57: {  	_ =	shalt  }
0x58: {  	_ =	shalt  }
0x59: {  	_ =	shalt  }
0x5a: {  	_ =	shalt  }
0x5b: {  	_ =	shalt  }
0x5c: {  	_ =	shalt  }
0x5d: {  	_ =	shalt  }
0x5e: {  	_ =	shalt  }
0x5f: {  	_ =	shalt  }
0x60: {  	_ =	shalt  }
0x61: {  	_ =	shalt  }
0x62: {  	_ =	shalt  }
0x63: {  	_ =	shalt  }
0x64: {  	_ =	shalt  }
0x65: {  	_ =	shalt  }
0x66: {  	_ =	shalt  }
0x67: {  	_ =	shalt  }
0x68: {  	_ =	shalt  }
0x69: {  	_ =	shalt  }
0x6a: {  	_ =	shalt  }
0x6b: {  	_ =	shalt  }
0x6c: {  	_ =	shalt  }
0x6d: {  	_ =	shalt  }
0x6e: {  	_ =	shalt  }
0x6f: {  	_ =	shalt  }
0x70: {  	_ =	shalt  }
0x71: {  	_ =	shalt  }
0x72: {  	_ =	shalt  }
0x73: {  	_ =	shalt  }
0x74: {  	_ =	shalt  }
0x75: {  	_ =	shalt  }
0x76: {  	_ =	shalt  }
0x77: {  	_ =	shalt  }
0x78: {  	_ =	shalt  }
0x79: {  	_ =	shalt  }
0x7a: {  	_ =	shalt  }
0x7b: {  	_ =	shalt  }
0x7c: {  	_ =	shalt  }
0x7d: {  	_ =	shalt  }
0x7e: {  	_ =	shalt  }
0x7f: {  	_ =	shalt  }
0x80: {  	_ =	shalt  }
0x81: {  	_ =	shalt  }
0x82: {  	_ =	shalt  }
0x83: {  	_ =	shalt  }
0x84: {  	_ =	shalt  }
0x85: {  	_ =	shalt  }
0x86: {  	_ =	shalt  }
0x87: {  	_ =	shalt  }
.Lfunc_end0:
.L_simem_size_0:
called_computation_lowered:
.L_overlay_start_0:
0x88: {  	s2 =	sld [smem:$0x3FD9]  }
0x89: {  	s3 =	sld [smem:$0x3FFE];
	_ =	sdelay $0x1  }
0x8a: {  	s1 =	srdreg.scid  }
0x8b: {  	s0 =	sand.u32 $0x1, s1  }
0x8c: {  	s17 =	sshll.u32 s0, $0xA;
	s2 =	sadd.s32 s3, s2  }
0x8d: {  	s2 =	sadd.s32 s2, s17  }
0x8e: {  	[smem:$0x3FBE] =	sst s2  }
0x8f: {  	_ = 	snop  }
0x90: {  	s2 =	sld [smem:$0x3FD0];
	(tm) =	ssettm $0x1  }
0x91: {  	s18 =	sld [smem:$0x3FFB];
	_ =	sdelay $0x3  }
0x92: {  	_ =	strace s18  }
0x93: {  	s3 =	sld [smem:$0x3FFC];
	_ =	sdelay $0x3  }
0x94: {  	_ =	strace s3  }
0x95: {  	s3 =	sld [smem:$0x3FFD];
	_ =	sdelay $0x3  }
0x96: {  	_ =	strace s3  }
0x97: {  	_ =	strace $0x8FFFFFFF  }
0x98: {  	s19 =	sld [smem:$0x3FDB];
	_ =	sdelay $0x1  }
0x99: {  	s4 =	simm.s32 $_scs_section_size  }
0x9a: {  	s5 =	simm.s32 $_size__tile_overlayer_lowered;
	s6 =	simm.s32 $_tile_overlayer_lowered  }
0x9b: {  	s22 =	simm.s32 $0x1BFF;
	s21 =	sshll.u32 s6, $0x1;
	s3 =	sadd.s32 s4, s19  }
0x9c: {  	s7 =	simm.s32 $0x0;
	s20 =	sshll.u32 s5, $0x1;
	s5 =	sadd.s32 s21, s3  }
0x9d: {  	[timem:s7], [sflag:s22] =	dma.local [hbm:s5], s20  }
0x9e: {  	_ =	swait.ge [sflag:s22], s20  }
0x9f: {  	s4 =	ssub.s32 $0x0, s20;
	[sflag:s22] =	ssyncset.done $0x0  }
0xa0: {  	[sflag:s22] =	ssyncadd.s32 s4;
	_ =	sdelay $0x1  }
0xa1: {  	s23 =	simm.s32 $0x1B8B  }
0xa2: {  	_ =	swait.ge [sflag:s23], $0x1  }
0xa3: {  	[sflag:s23] =	ssyncset.done $0x0  }
0xa4: {  	s25 =	simm.s32 $0x1B8E;
	s24 =	sld [smem:$0x3FFE];
	[sflag:s23] =	ssyncadd.s32 $0xFFFFFFFF  }
0xa5: {  	s26 =	simm.s32 $execute0_lowered;
	[smem:$0x3FD2] =	sst s25  }
0xa6: {  	s5 =	sshll.u32 s26, $0x1;
	_ =	strace $0x80000046;
	[dreg:$0x1] =	wrdreg $0xFFFFFFFF  }
0xa7: {  	s28 =	simm.s32 $_size_execute0_lowered;
	s3 =	sadd.s32 s3, s5;
	[dreg:$0x0] =	wrdreg $0x0  }
0xa8: {  	s5 =	sshll.u32 s28, $0x1;
	[dreg:$0x2] =	wrdreg s3  }
0xa9: {  	[dreg:$0x3] =	wrdreg s5  }
0xaa: {  	[dreg:$0x4] =	wrdreg $0xC0  }
0xab: {  	_ =	task [dreg:s7], $0x5FFFF  }
0xac: {  	[dreg:$0x1] =	wrdreg $0xFFFFFFFF  }
0xad: {  	[dreg:$0x0] =	wrdreg $0x60  }
0xae: {  	[dreg:$0x2] =	wrdreg s24  }
0xaf: {  	[dreg:$0x3] =	wrdreg s2  }
0xb0: {  	[dreg:$0x4] =	wrdreg $0x9  }
0xb1: {  	_ =	task.clear_ibuf [dreg:s7], $0x5FFFF;
	_ =	strace $0x90000046  }
0xb2: {  	s29 =	simm.s32 $0x9;
	_ =	strace $0x80000048  }
0xb3: {  	_ =	swait.ge [sflag:s29], $0x1  }
0xb4: {  	[sflag:s29] =	ssyncadd.s32 $0xFFFFFFFF  }
0xb5: {  	_ =	strace $0x90000048  }
0xb6: {  	_ =	sfence  }
0xb7: {  	s30 =	sld [smem:$0x0];
	_ =	sdelay $0x2  }
0xb8: {  	s31 =	sshll.u32 s1, $0xD;
	s1 =	sshrl.u32 s1, $0x2  }
0xb9: {  	s3 =	sand.u32 $0x4000, s31;
	s1 =	sadd.s32 s1, s30  }
0xba: {  	s0 =	sor.u32 s3, s0;
	s1 =	sshll.u32 s1, $0x11  }
0xbb: {  	s0 =	sor.u32 s1, s0  }
0xbc: {  	s0 =	sadd.s32 $0x8F2B, s0  }
0xbd: {  	[sflag:s0] =	ssyncadd.remote.s32 $0x1  }
0xbe: {  	_ =	sfence.sel $0xFFFF  }
0xbf: {  	[dreg:$0x0] =	wrdreg $0xFFFFFFFF;
	(pc) =	sbr.abs _section_cstart, $3  }
0xc0: {  	[dreg:$0x1] =	wrdreg $0xFFFFFFFF  }
0xc1: {  	_ =	task.clear_ibuf [dreg:s7], $0x2FFFF;
	_ =	strace $0x9FFFFFFF  }
0xc2: {  	(tm) =	ssettm $0x7FFFFFFF  }
0xc3: {  	_ =	shalt  }
tec
execute0_lowered:
.L_overlay_start_1:
0x0: {  	(tag) =	ssettag $0x1  }
0x1: {  	s4 =	rddreg [dreg:$0x0]  }
0x2: {  	s5 =	rddreg [dreg:$0x1]  }
0x3: {  	s0 =	rddreg [dreg:$0x2];
	s3 =	srdreg.scid  }
0x4: {  	s1 =	stileid.u32;
	s2 =	simm.s32 $0x0;
	s11 =	simm.s32 $0x200  }
0x5: {  	s12 =	simm.s32 $0xA00;
	s13 =	simm.s32 $0x100;
	s14 =	simm.s32 $0x1200  }
0x6: {  	s15 =	simm.s32 $0x180;
	s16 =	simm.s32 $0x1A00;
	s17 =	simm.s32 $0x1  }
0x7: {  	s3 =	sand.u32 $0x1, s3;
	s6 =	sshll.u32 s1, $0x1;
	[smem:$0x7FF] =	sst s2  }
0x8: {  	s18 =	simm.s32 $0x0;
	s6 =	sor.u32 s3, s6;
	_ =	strace $0x80000047  }
0x9: {  	s8 =	ssub.s32 $0x2, s3;
	s3 =	sadd.s32 $0x2200, s4;
	s7 =	sshll.u32 s6, $0x6  }
0xa: {  	s6 =	sshll.u32 s6, $0xA;
	s9 =	sshrl.u32 s8, $0x1;
	s7 =	sadd.s32 s7, s4  }
0xb: {  	s10 =	sadd.s32 s6, s4;
	s8 =	ssub.s32 s8, s9;
	s5 =	sadd.s32 s5, s6  }
0xc: {  	s9 =	simm.s32 $0x2200;
	s4 =	sadd.s32 $0x1A00, s7;
	s6 =	sadd.s32 $0x4200, s10  }
0xd: {  	s7 =	smax.u32 s8, $0x1;
	s8 =	simm.s32 $0x2;
	s10 =	simm.s32 $0x80  }
.LBB2_1:
0xe: {  	[tilespmem:s2], [sflag:$0x2] =	stream.linear.gather [hbm4b:s4+s2], $0x200, $0x38;
	[tilespmem:$0x4200] =	vst v63  }
0xf: {  	_ =	swait.ge [sflag:s8], $0x200  }
0x10: {  	[sflag:s8] =	ssyncset.done $0x0  }
0x11: {  	[sflag:s8] =	ssyncadd.s32 $0xFFFFFE00  }
0x12: {  	[tilespmem:s9], [sflag:$0x2] =	stream.linear.gather [hbm4b:s5+s2], $0x2000, $0x38;
	[tilespmem:$0x4200] =	vst v63  }
0x13: {  	_ =	swait.ge [sflag:s8], $0x2000  }
0x14: {  	[sflag:s8] =	ssyncset.done $0x0  }
0x15: {  	[sflag:s8] =	ssyncadd.s32 $0xFFFFE000  }
0x16: {  	[tilespmem:s11], [sflag:$0x1] =	stream.indirect.gather [hbm4b:s3+s10], $0x10, s2, s10, $0xb8;
	[tilespmem:$0x4200] =	vst v63  }
0x17: {  	_ = 	snop  }
0x18: {  	[tilespmem:s12], [sflag:$0x1] =	stream.indirect.gather [hbm4b:s3+s10], $0x10, s10, s10, $0xb8;
	[tilespmem:$0x4200] =	vst v63  }
0x19: {  	_ = 	snop  }
0x1a: {  	[tilespmem:s14], [sflag:$0x1] =	stream.indirect.gather [hbm4b:s3+s10], $0x10, s13, s10, $0xb8;
	[tilespmem:$0x4200] =	vst v63  }
0x1b: {  	_ = 	snop  }
0x1c: {  	[tilespmem:s16], [sflag:$0x1] =	stream.indirect.gather [hbm4b:s3+s10], $0x10, s15, s10, $0xb8;
	[tilespmem:$0x4200] =	vst v63  }
0x1d: {  	_ =	swait.ge [sflag:s17], $0x800  }
0x1e: {  	[sflag:s17] =	ssyncset.done $0x0  }
0x1f: {  	[sflag:s17] =	ssyncadd.s32 $0xFFFFF800  }
0x20: {  	_ =	swait.ge [sflag:s17], $0x800  }
0x21: {  	[sflag:s17] =	ssyncset.done $0x0  }
0x22: {  	[sflag:s17] =	ssyncadd.s32 $0xFFFFF800  }
0x23: {  	_ =	swait.ge [sflag:s17], $0x800  }
0x24: {  	[sflag:s17] =	ssyncset.done $0x0  }
0x25: {  	[sflag:s17] =	ssyncadd.s32 $0xFFFFF800  }
0x26: {  	_ =	swait.ge [sflag:s17], $0x800  }
0x27: {  	[sflag:s17] =	ssyncset.done $0x0  }
0x28: {  	s19 =	simm.s32 $0x0;
	[sflag:s17] =	ssyncadd.s32 $0xFFFFF800  }
0x29: {  	s20 =	simm.s32 $0x40;
	v0 =	vld [tilespmem:s19+$0x2200]  }
.LBB2_2:
0x2a: {  	p0 =	sne.s32 s20, $0x7FC0;
	v1 =	vld [tilespmem:s19+$0x200];
	_ =	sdelay $0x2  }
.Ltmp0:
0x2b: {  	(pc) =	sbr.rel @p0 .LBB2_2-.Ltmp0, $4  }
0x2c: {  	_ = 	snop  }
0x2d: {  	v1 =	vadd.f32 v0, v1  }
0x2e: {  	s21 =	sshra.s32 s20, $0x2  }
0x2f: {  	s20 =	sadd.s32 $0x40, s20;
	v0 =	vld [tilespmem:s21+$0x2200];
	[tilespmem:s19+$0x200] =	vst v1;
	s19 =	smov.u32 s21  }
0x30: {  	v1 =	vld [tilespmem:s19+$0x200];
	_ =	sdelay $0x4  }
0x31: {  	s18 =	sadd.s32 $0x1, s18;
	v0 =	vadd.f32 v0, v1  }
0x32: {  	p0 =	sne.s32 s18, s7  }
.Ltmp1:
0x33: {  	[tilespmem:s19+$0x200] =	vst v0;
	(pc) =	sbr.rel @p0 .LBB2_1-.Ltmp1, $4  }
0x34: {  	[hbm4b:s6+s2] =	stream.linear.scatter [tilespmem:s11], [sflag:$0x2], $0x2000, $0x38;
	[tilespmem:$0x4200] =	vst v63  }
0x35: {  	_ =	swait.ge [sflag:s8], $0x2000  }
0x36: {  	[sflag:s8] =	ssyncset.done $0x0  }
0x37: {  	[sflag:s8] =	ssyncadd.s32 $0xFFFFE000  }
0x38: {  	_ =	sfence.sel $0x180000  }
0x39: {  	[bflag:$0x0] =	sbarrier.arrive $0xFFFF  }
0x3a: {  	p0 =	sne.s32 s1, $0x0;
	_ =	strace $0x90000047  }
0x3b: {  	s0 =	sadd.s32 @!p0 $0x100000, s0;
	[bflag:$0x2] =	sbarrier.arrive $0xFFFF  }
0x3c: {  	[sflag:s0] =	ssyncadd.tile.s32 @!p0 $0x1;
	_ =	shalt  }
.Lfunc_end2:
_tile_overlayer_lowered:
.L_overlay_start_2:
0x3d: {  	(tag) =	ssettag $0x2  }
0x3e: {  	s0 =	rddreg [dreg:$0x0];
	s2 =	stileid.u32  }
0x3f: {  	s1 =	rddreg [dreg:$0x1];
	p0 =	sne.s32 s2, $0x0  }
0x40: {  	s3 =	rddreg [dreg:$0x2];
	[bflag:$0x3] =	sbarrier.arrive $0xFFFF;
	s2 =	simm.s32 @!p0 $0x1C02  }
0x41: {  	[timem:s3], [sflag:s2] =	dma.local @!p0 [hbm:s0], s1  }
0x42: {  	s0 =	simm.s32 @!p0 $0x2  }
0x43: {  	_ =	swait.ge @!p0 [sflag:s0], s1  }
0x44: {  	s1 =	ssub.s32 @!p0 $0x0, s1;
	[sflag:s0] =	ssyncset.done @!p0 $0x0  }
0x45: {  	[sflag:s0] =	ssyncadd.s32 @!p0 s1  }
0x46: {  	[bflag:$0x3] =	sbarrier.arrive $0xFFFF  }
0x47: {  	_ =	shalt  }

</sc_bundles>
